<compile_context>
chip_gen: v7x
topology: tpu7x:2x2x1
jax: 0.10.2.dev20260603
libtpu: 0.0.44.dev20260713+nightly
codegen_flags: <defaults>
</compile_context>

<pallas_src>
import functools

import jax
import jax.numpy as jnp
from jax import lax
from jax.experimental import pallas as pl
from jax.experimental.pallas import tpu as pltpu
from jax.experimental.pallas import tpu_sc as plsc

NN = 10000
DD = 128
EE = 320000

NSC = 2
NSUB = 16
NW = NSC * NSUB

EB = 128
NB = 2560
PB = NB // NW
PBM = NB // NW
EPAD = NB * EB
CK = 8
NCK = PBM // CK
NR = 2
NSPL = 4
SEB = EB // NSPL

NPAD = 10112
RPS = NPAD // NSUB

DCOL = 16

_sc_mesh = plsc.VectorSubcoreMesh(core_axis_name="c", subcore_axis_name="s",
                                  num_cores=NSC, num_subcores=NSUB)


def _clear_acc(zbuf, acc_sh, s, zr):
    for k in range(RPS // zr):
        pltpu.sync_copy(zbuf, acc_sh.at[pl.ds(s * RPS + k * zr, zr)])
    rem = RPS % zr
    if rem:
        pltpu.sync_copy(zbuf.at[pl.ds(0, rem)],
                        acc_sh.at[pl.ds(s * RPS + (RPS // zr) * zr, rem)])


def _write_out(acc_sh, out_hbm, c, s, zr):
    for k in range(RPS // zr):
        r0 = s * RPS + k * zr
        pltpu.sync_copy(acc_sh.at[pl.ds(r0, zr)], out_hbm.at[c, pl.ds(r0, zr)])
    rem = RPS % zr
    if rem:
        r0 = s * RPS + (RPS // zr) * zr
        pltpu.sync_copy(acc_sh.at[pl.ds(r0, rem)], out_hbm.at[c, pl.ds(r0, rem)])


def _deg_body(dstb_hbm, out_hbm, ones_v, idxd_v, acc_sh, sem, sem2):
    c = lax.axis_index("c")
    s = lax.axis_index("s")
    w = c * NSUB + s
    base = w * PB

    idx_cp = pltpu.async_copy(dstb_hbm.at[pl.ds(base, PB)], idxd_v, sem2)

    @pl.loop(0, EB)
    def _zero(r):
        ones_v[r, pl.ds(0, DCOL)] = jnp.zeros((DCOL,), jnp.float32)

    _clear_acc(ones_v, acc_sh, s, EB)

    @pl.loop(0, EB)
    def _one(r):
        ones_v[r, pl.ds(0, DCOL)] = jnp.full((DCOL,), 1.0, jnp.float32)

    idx_cp.wait()
    plsc.subcore_barrier()

    @pl.loop(0, PB)
    def _edges(i):
        pltpu.async_copy(ones_v, acc_sh.at[idxd_v.at[i]], sem, add=True)

    @pl.loop(0, PB)
    def _drain(i):
        pltpu.make_async_copy(ones_v, acc_sh.at[idxd_v.at[i]], sem).wait()

    plsc.subcore_barrier()
    _write_out(acc_sh, out_hbm, c, s, EB)


@jax.jit
def _deg_call(dstb):
    kern = pl.kernel(
        _deg_body,
        out_type=jax.ShapeDtypeStruct((NSC, NPAD, DCOL), jnp.float32),
        mesh=_sc_mesh,
        scratch_types=[
            pltpu.VMEM((EB, DCOL), jnp.float32),
            pltpu.VMEM((PB, EB), jnp.int32),
            pltpu.VMEM_SHARED((NPAD, DCOL), jnp.float32),
            pltpu.SemaphoreType.DMA,
            pltpu.SemaphoreType.DMA,
        ],
    )
    return kern(dstb)


def _msg_body(hw_hbm, srcb_hbm, dstb_hbm, out_hbm,
              rows0, rows1, is0, is1, id0, id1, acc_sh,
              g0, g1, s0, s1, e0, e1):
    c = lax.axis_index("c")
    s = lax.axis_index("s")
    w = c * NSUB + s
    base = w * PBM
    isb = (is0, is1)
    idb = (id0, id1)
    esem = (e0, e1)

    def idx_load(ck, p):
        pltpu.async_copy(srcb_hbm.at[pl.ds(base + ck * CK, CK)], isb[p], esem[p])
        pltpu.async_copy(dstb_hbm.at[pl.ds(base + ck * CK, CK)], idb[p], esem[p])

    def idx_wait(ck, p):
        pltpu.make_async_copy(srcb_hbm.at[pl.ds(base + ck * CK, CK)], isb[p], esem[p]).wait()
        pltpu.make_async_copy(dstb_hbm.at[pl.ds(base + ck * CK, CK)], idb[p], esem[p]).wait()

    idx_load(0, 0)
    idx_load(1, 1)

    @pl.loop(0, EB)
    def _zr(r):
        @pl.loop(0, DD, step=16)
        def _zc(k):
            rows0[r, pl.ds(k, 16)] = jnp.zeros((16,), jnp.float32)

    _clear_acc(rows0, acc_sh, s, EB)
    plsc.subcore_barrier()

    @pl.loop(0, NCK, step=2)
    def _chunks(ck2):
        for po in (0, 1):
            ck = ck2 + po
            idx_wait(ck, po)

            @pl.loop(0, CK, step=2)
            def _pair(t):
                pltpu.async_copy(hw_hbm.at[isb[po].at[t]], rows0, g0).wait()
                sa = pltpu.async_copy(rows0, acc_sh.at[idb[po].at[t]], s0, add=True)
                pltpu.async_copy(hw_hbm.at[isb[po].at[t + 1]], rows1, g1).wait()
                sa.wait()
                sb = pltpu.async_copy(rows1, acc_sh.at[idb[po].at[t + 1]], s1, add=True)
                sb.wait()

            @pl.when(ck + 2 < NCK)
            def _():
                idx_load(ck + 2, po)

    plsc.subcore_barrier()
    _write_out(acc_sh, out_hbm, c, s, EB)


@jax.jit
def _msg_call(hw, srcb, dstb):
    kern = pl.kernel(
        _msg_body,
        out_type=jax.ShapeDtypeStruct((NSC, NPAD, DD), jnp.float32),
        mesh=_sc_mesh,
        scratch_types=[
            pltpu.VMEM((EB, DD), jnp.float32),
            pltpu.VMEM((EB, DD), jnp.float32),
            pltpu.VMEM((CK, EB), jnp.int32),
            pltpu.VMEM((CK, EB), jnp.int32),
            pltpu.VMEM((CK, EB), jnp.int32),
            pltpu.VMEM((CK, EB), jnp.int32),
            pltpu.VMEM_SHARED((NPAD, DD), jnp.float32),
        ] + [pltpu.SemaphoreType.DMA] * 6,
    )
    return kern(hw, srcb, dstb)


RB = 1000
NG = NN // RB


def _mm1_body(x_ref, w_ref, o_ref):
    x = x_ref[...]
    h = x / (jnp.sum(jnp.abs(x), axis=1, keepdims=True) + 1e-12)
    o_ref[...] = jnp.dot(h, w_ref[...], preferred_element_type=jnp.float32)


@jax.jit
def _mm1_call(x, w):
    return pl.pallas_call(
        _mm1_body,
        grid=(NG,),
        in_specs=[
            pl.BlockSpec((RB, DD), lambda i: (i, 0)),
            pl.BlockSpec((DD, DD), lambda i: (0, 0)),
        ],
        out_specs=pl.BlockSpec((RB, DD), lambda i: (i, 0)),
        out_shape=jax.ShapeDtypeStruct((NN, DD), jnp.float32),
    )(x, w)


def _norm_scale_body(deg_ref, hw_ref, norm_ref, o_ref):
    deg = deg_ref[0, :, 0:1] + deg_ref[1, :, 0:1] + 1.0
    norm = lax.rsqrt(deg)
    normb = jnp.broadcast_to(norm, (RB, DD))
    norm_ref[...] = normb
    o_ref[...] = hw_ref[...] * normb


@jax.jit
def _norm_scale_call(degtab, hw_raw):
    return pl.pallas_call(
        _norm_scale_body,
        grid=(NG,),
        in_specs=[
            pl.BlockSpec((NSC, RB, DCOL), lambda i: (0, i, 0)),
            pl.BlockSpec((RB, DD), lambda i: (i, 0)),
        ],
        out_specs=[
            pl.BlockSpec((RB, DD), lambda i: (i, 0)),
            pl.BlockSpec((RB, DD), lambda i: (i, 0)),
        ],
        out_shape=[
            jax.ShapeDtypeStruct((NN, DD), jnp.float32),
            jax.ShapeDtypeStruct((NN, DD), jnp.float32),
        ],
    )(degtab, hw_raw)


def _combine_mm_body(p_ref, hw_ref, n_ref, b_ref, w_ref, o_ref):
    n = n_ref[...]
    t = (p_ref[0] + p_ref[1] + hw_ref[...]) * n + b_ref[...]
    t = jnp.maximum(t, 0.0)
    o_ref[...] = jnp.dot(t, w_ref[...], preferred_element_type=jnp.float32) * n


@jax.jit
def _combine_mm_call(ptab, hw, normb, b, w):
    return pl.pallas_call(
        _combine_mm_body,
        grid=(NG,),
        in_specs=[
            pl.BlockSpec((NSC, RB, DD), lambda i: (0, i, 0)),
            pl.BlockSpec((RB, DD), lambda i: (i, 0)),
            pl.BlockSpec((RB, DD), lambda i: (i, 0)),
            pl.BlockSpec((1, DD), lambda i: (0, 0)),
            pl.BlockSpec((DD, DD), lambda i: (0, 0)),
        ],
        out_specs=pl.BlockSpec((RB, DD), lambda i: (i, 0)),
        out_shape=jax.ShapeDtypeStruct((NN, DD), jnp.float32),
    )(ptab, hw, normb, b, w)


def _combine_final_body(p_ref, hw_ref, n_ref, b_ref, o_ref):
    t = (p_ref[0] + p_ref[1] + hw_ref[...]) * n_ref[...] + b_ref[...]
    o_ref[...] = jnp.maximum(t, 0.0)


@jax.jit
def _combine_final_call(ptab, hw, normb, b):
    return pl.pallas_call(
        _combine_final_body,
        grid=(NG,),
        in_specs=[
            pl.BlockSpec((NSC, RB, DD), lambda i: (0, i, 0)),
            pl.BlockSpec((RB, DD), lambda i: (i, 0)),
            pl.BlockSpec((RB, DD), lambda i: (i, 0)),
            pl.BlockSpec((1, DD), lambda i: (0, 0)),
        ],
        out_specs=pl.BlockSpec((RB, DD), lambda i: (i, 0)),
        out_shape=jax.ShapeDtypeStruct((NN, DD), jnp.float32),
    )(ptab, hw, normb, b)


def kernel(x, edge_index, W_enc0, b_enc0, W_enc1, b_enc1, W_dec0, b_dec0,
           W_dec1, b_dec1):
    src = edge_index[0].astype(jnp.int32)
    dst = edge_index[1].astype(jnp.int32)
    srcb = jnp.concatenate([src, jnp.zeros((EPAD - EE,), jnp.int32)]).reshape(NB, EB)
    dstb = jnp.concatenate([dst, jnp.full((EPAD - EE,), NN, jnp.int32)]).reshape(NB, EB)

    b_enc0 = b_enc0.reshape(1, DD)
    b_enc1 = b_enc1.reshape(1, DD)
    b_dec0 = b_dec0.reshape(1, DD)
    b_dec1 = b_dec1.reshape(1, DD)

    degtab = _deg_call(dstb)
    hw1_raw = _mm1_call(x, W_enc0)
    normb, hw1 = _norm_scale_call(degtab, hw1_raw)

    p1 = _msg_call(hw1, srcb, dstb)
    hw2 = _combine_mm_call(p1, hw1, normb, b_enc0, W_enc1)
    p2 = _msg_call(hw2, srcb, dstb)
    hw3 = _combine_mm_call(p2, hw2, normb, b_enc1, W_dec0)
    p3 = _msg_call(hw3, srcb, dstb)
    hw4 = _combine_mm_call(p3, hw3, normb, b_dec0, W_dec1)
    p4 = _msg_call(hw4, srcb, dstb)
    recon = _combine_final_call(p4, hw4, normb, b_dec1)
    return recon

# --- scband reference (transcript-rebuilt; emitter-appended) ---
"""Pipeline reference for scband-amgae-26989574488581 (READ-ONLY COPY).

The authoritative reference and input builder live on the scoring server;
editing this copy changes nothing except your own understanding.
"""

import jax, jax.numpy as jnp
import numpy as np

N = 10000
E = 320000
D_IN = 128
D_HID = 128


def setup_inputs(seed: int = 0) -> dict:
    key = jax.random.key(seed)
    ks = jax.random.split(key, 12)
    x = jax.random.normal(ks[0], (N, D_IN), dtype=jnp.float32)
    edge_index = jax.random.randint(ks[1], (2, E), 0, N)

    def init_w(k, din, dout):
        stdv = 1.0 / np.sqrt(dout)
        kw, kb = jax.random.split(k)
        W = jax.random.uniform(kw, (din, dout), minval=-stdv, maxval=stdv, dtype=jnp.float32)
        b = jax.random.uniform(kb, (dout,), minval=-stdv, maxval=stdv, dtype=jnp.float32)
        return W, b

    W_enc0, b_enc0 = init_w(ks[2], D_IN, D_HID)
    W_enc1, b_enc1 = init_w(ks[3], D_HID, D_HID)
    W_dec0, b_dec0 = init_w(ks[4], D_HID, D_HID)
    W_dec1, b_dec1 = init_w(ks[5], D_HID, D_IN)
    return {
        "x": x, "edge_index": edge_index,
        "W_enc0": W_enc0, "b_enc0": b_enc0,
        "W_enc1": W_enc1, "b_enc1": b_enc1,
        "W_dec0": W_dec0, "b_dec0": b_dec0,
        "W_dec1": W_dec1, "b_dec1": b_dec1,
    }


def reference(x, edge_index, W_enc0, b_enc0, W_enc1, b_enc1, W_dec0, b_dec0, W_dec1, b_dec1):
    src = edge_index[0]
    dst = edge_index[1]
    # symmetric GCN norm with self-loops (adj.setdiag(1) in original)
    deg = jnp.zeros((N,), jnp.float32).at[dst].add(1.0) + 1.0
    norm = jnp.power(deg, -0.5)[:, None]
    # feat_norm='row': L1 row normalization of input features
    h = x / (jnp.sum(jnp.abs(x), axis=1, keepdims=True) + 1e-12)

    def gcn_layer(h, W, b, act):
        h = h @ W
        h = h * norm
        # message passing: copy_u + sum reduce (scatter-add over edges) + self-loop
        agg = jnp.zeros_like(h).at[dst].add(h[src]) + h
        h = agg * norm
        h = h + b
        if act:
            h = jax.nn.relu(h)
        return h

    # encoder: in_feats -> n_hidden -> n_hidden
    h = gcn_layer(h, W_enc0, b_enc0, True)
    h = gcn_layer(h, W_enc1, b_enc1, True)
    # decoder: n_hidden -> n_hidden -> in_feats (feature reconstruction)
    h = gcn_layer(h, W_dec0, b_dec0, True)
    recon = gcn_layer(h, W_dec1, b_dec1, True)
    return recon

if __name__ == "__main__":
    import jax
    _d = setup_inputs()
    print(jax.jit(kernel)(*tuple(_d.values())))

</pallas_src>

<mosaic_0001>
#map = affine_map<(d0, d1) -> (0, 0)>
#map1 = affine_map<(d0, d1) -> (0, 0, 0)>
module attributes {stable_mosaic.version = 14 : i64} {
  func.func @_deg_body(%arg0: i32, %arg1: i32, %arg2: memref<2560x128xi32, #tpu.memory_space<hbm>>, %arg3: memref<2x10112x16xf32, #tpu.memory_space<hbm>>, %arg4: memref<128x16xf32, #tpu.memory_space<vmem>>, %arg5: memref<80x128xi32, #tpu.memory_space<vmem>>, %arg6: memref<10112x16xf32, #tpu.memory_space<vmem_shared>>, %arg7: memref<!tpu.dma_semaphore, #tpu.memory_space<semaphore_mem>>, %arg8: memref<!tpu.dma_semaphore, #tpu.memory_space<semaphore_mem>>) attributes {dimension_semantics = [#tpu.dimension_semantics<core_parallel>, #tpu.dimension_semantics<subcore_parallel>], iteration_bounds = array<i64: 2, 16>, scalar_prefetch = 0 : i64, scratch_operands = 5 : i64, tpu.core_type = #tpu.core_type<sc_vector_subcore>, window_params = [{transform_indices = #map}, {transform_indices = #map1}]} {
    %mul3A = arith.constant 16 : i32
    %mul3A_0 = arith.muli %arg0, %mul3A : i32
    %add3A = arith.addi %mul3A_0, %arg1 : i32
    %mul3A_1 = arith.constant 80 : i32
    %mul3A_2 = arith.muli %add3A, %mul3A_1 : i32
    %dma_start3A = arith.constant 0 : i32
    %dma_start3A_3 = tpu.memref_slice %arg2[%mul3A_2, %dma_start3A] : memref<2560x128xi32, #tpu.memory_space<hbm>> -> memref<80x128xi32, #tpu.memory_space<hbm>>
    %dma_start3A_4 = arith.constant 0 : i32
    %dma_start3A_5 = tpu.memref_slice %arg2[%mul3A_2, %dma_start3A_4] : memref<2560x128xi32, #tpu.memory_space<hbm>> -> memref<80x128xi32, #tpu.memory_space<hbm>>
    tpu.enqueue_dma source(%dma_start3A_5 : memref<80x128xi32, #tpu.memory_space<hbm>>) target(%arg5 : memref<80x128xi32, #tpu.memory_space<vmem>>) target_semaphore(%arg8 : memref<!tpu.dma_semaphore, #tpu.memory_space<semaphore_mem>>)
    %scan3A = arith.constant 0 : i32
    %scan3A_6 = arith.constant 128 : i32
    %scan3A_7 = arith.addi %scan3A, %scan3A_6 : i32
    %scan3A_8 = arith.constant 1 : i32
    scf.for %scan3A_69 = %scan3A to %scan3A_7 step %scan3A_8  : i32 {
      %mul3A_70 = arith.constant 1 : i32
      %mul3A_71 = arith.muli %scan3A_69, %mul3A_70 : i32
      %add3A_72 = arith.constant 0 : i32
      %add3A_73 = arith.addi %add3A_72, %mul3A_71 : i32
      %broadcast_in_dim3A = arith.constant 0.000000e+00 : f32
      %broadcast_in_dim3A_74 = vector.broadcast %broadcast_in_dim3A : f32 to vector<16xf32>
      %swap3A = arith.index_cast %add3A_73 : i32 to index
      %swap3A_75 = arith.constant 0 : index
      %swap3A_76 = tpu.vector_load %arg4[%swap3A, %swap3A_75] {strides = array<i32>} : memref<128x16xf32, #tpu.memory_space<vmem>>, vector<1x16xf32>,
      %swap3A_77 = vector.shape_cast %swap3A_76 : vector<1x16xf32> to vector<16xf32>
      %swap3A_78 = vector.shape_cast %broadcast_in_dim3A_74 : vector<16xf32> to vector<1x16xf32>
      tpu.vector_store %arg4[%swap3A, %swap3A_75], %swap3A_78 {strides = array<i32>} : memref<128x16xf32, #tpu.memory_space<vmem>>, vector<1x16xf32>,
    }
    %scan3A_9 = arith.constant 128 : i32
    %mul3A_10 = arith.constant 632 : i32
    %mul3A_11 = arith.muli %arg1, %mul3A_10 : i32
    %add3A_12 = arith.constant 0 : i32
    %add3A_13 = arith.addi %mul3A_11, %add3A_12 : i32
    "tpu.region"() ({
      %run_scoped3A = tpu.sem_alloc : memref<!tpu.dma_semaphore, #tpu.memory_space<semaphore_mem>>
      %dma_start3A_69 = arith.constant 0 : i32
      %dma_start3A_70 = tpu.memref_slice %arg6[%add3A_13, %dma_start3A_69] : memref<10112x16xf32, #tpu.memory_space<vmem_shared>> -> memref<128x16xf32, #tpu.memory_space<vmem_shared>>
      %dma_start3A_71 = arith.constant 0 : i32
      %dma_start3A_72 = tpu.memref_slice %arg6[%add3A_13, %dma_start3A_71] : memref<10112x16xf32, #tpu.memory_space<vmem_shared>> -> memref<128x16xf32, #tpu.memory_space<vmem_shared>>
      tpu.enqueue_dma source(%arg4 : memref<128x16xf32, #tpu.memory_space<vmem>>) target(%dma_start3A_72 : memref<128x16xf32, #tpu.memory_space<vmem_shared>>) target_semaphore(%run_scoped3A : memref<!tpu.dma_semaphore, #tpu.memory_space<semaphore_mem>>)
      %dma_wait3A_73 = arith.constant 0 : i32
      %dma_wait3A_74 = tpu.memref_slice %arg6[%add3A_13, %dma_wait3A_73] : memref<10112x16xf32, #tpu.memory_space<vmem_shared>> -> memref<128x16xf32, #tpu.memory_space<vmem_shared>>
      %dma_wait3A_75 = arith.constant 0 : i32
      %dma_wait3A_76 = tpu.memref_slice %arg6[%add3A_13, %dma_wait3A_75] : memref<10112x16xf32, #tpu.memory_space<vmem_shared>> -> memref<128x16xf32, #tpu.memory_space<vmem_shared>>
      tpu.wait_dma2 semaphore(%run_scoped3A : memref<!tpu.dma_semaphore, #tpu.memory_space<semaphore_mem>>) src(%arg4 : memref<128x16xf32, #tpu.memory_space<vmem>>) dst(%dma_wait3A_76 : memref<128x16xf32, #tpu.memory_space<vmem_shared>>)
      tpu.yield
    }) : () -> ()
    %mul3A_14 = arith.constant 632 : i32
    %mul3A_15 = arith.muli %arg1, %mul3A_14 : i32
    %add3A_16 = arith.constant 128 : i32
    %add3A_17 = arith.addi %mul3A_15, %add3A_16 : i32
    "tpu.region"() ({
      %run_scoped3A = tpu.sem_alloc : memref<!tpu.dma_semaphore, #tpu.memory_space<semaphore_mem>>
      %dma_start3A_69 = arith.constant 0 : i32
      %dma_start3A_70 = tpu.memref_slice %arg6[%add3A_17, %dma_start3A_69] : memref<10112x16xf32, #tpu.memory_space<vmem_shared>> -> memref<128x16xf32, #tpu.memory_space<vmem_shared>>
      %dma_start3A_71 = arith.constant 0 : i32
      %dma_start3A_72 = tpu.memref_slice %arg6[%add3A_17, %dma_start3A_71] : memref<10112x16xf32, #tpu.memory_space<vmem_shared>> -> memref<128x16xf32, #tpu.memory_space<vmem_shared>>
      tpu.enqueue_dma source(%arg4 : memref<128x16xf32, #tpu.memory_space<vmem>>) target(%dma_start3A_72 : memref<128x16xf32, #tpu.memory_space<vmem_shared>>) target_semaphore(%run_scoped3A : memref<!tpu.dma_semaphore, #tpu.memory_space<semaphore_mem>>)
      %dma_wait3A_73 = arith.constant 0 : i32
      %dma_wait3A_74 = tpu.memref_slice %arg6[%add3A_17, %dma_wait3A_73] : memref<10112x16xf32, #tpu.memory_space<vmem_shared>> -> memref<128x16xf32, #tpu.memory_space<vmem_shared>>
      %dma_wait3A_75 = arith.constant 0 : i32
      %dma_wait3A_76 = tpu.memref_slice %arg6[%add3A_17, %dma_wait3A_75] : memref<10112x16xf32, #tpu.memory_space<vmem_shared>> -> memref<128x16xf32, #tpu.memory_space<vmem_shared>>
      tpu.wait_dma2 semaphore(%run_scoped3A : memref<!tpu.dma_semaphore, #tpu.memory_space<semaphore_mem>>) src(%arg4 : memref<128x16xf32, #tpu.memory_space<vmem>>) dst(%dma_wait3A_76 : memref<128x16xf32, #tpu.memory_space<vmem_shared>>)
      tpu.yield
    }) : () -> ()
    %mul3A_18 = arith.constant 632 : i32
    %mul3A_19 = arith.muli %arg1, %mul3A_18 : i32
    %add3A_20 = arith.constant 256 : i32
    %add3A_21 = arith.addi %mul3A_19, %add3A_20 : i32
    "tpu.region"() ({
      %run_scoped3A = tpu.sem_alloc : memref<!tpu.dma_semaphore, #tpu.memory_space<semaphore_mem>>
      %dma_start3A_69 = arith.constant 0 : i32
      %dma_start3A_70 = tpu.memref_slice %arg6[%add3A_21, %dma_start3A_69] : memref<10112x16xf32, #tpu.memory_space<vmem_shared>> -> memref<128x16xf32, #tpu.memory_space<vmem_shared>>
      %dma_start3A_71 = arith.constant 0 : i32
      %dma_start3A_72 = tpu.memref_slice %arg6[%add3A_21, %dma_start3A_71] : memref<10112x16xf32, #tpu.memory_space<vmem_shared>> -> memref<128x16xf32, #tpu.memory_space<vmem_shared>>
      tpu.enqueue_dma source(%arg4 : memref<128x16xf32, #tpu.memory_space<vmem>>) target(%dma_start3A_72 : memref<128x16xf32, #tpu.memory_space<vmem_shared>>) target_semaphore(%run_scoped3A : memref<!tpu.dma_semaphore, #tpu.memory_space<semaphore_mem>>)
      %dma_wait3A_73 = arith.constant 0 : i32
      %dma_wait3A_74 = tpu.memref_slice %arg6[%add3A_21, %dma_wait3A_73] : memref<10112x16xf32, #tpu.memory_space<vmem_shared>> -> memref<128x16xf32, #tpu.memory_space<vmem_shared>>
      %dma_wait3A_75 = arith.constant 0 : i32
      %dma_wait3A_76 = tpu.memref_slice %arg6[%add3A_21, %dma_wait3A_75] : memref<10112x16xf32, #tpu.memory_space<vmem_shared>> -> memref<128x16xf32, #tpu.memory_space<vmem_shared>>
      tpu.wait_dma2 semaphore(%run_scoped3A : memref<!tpu.dma_semaphore, #tpu.memory_space<semaphore_mem>>) src(%arg4 : memref<128x16xf32, #tpu.memory_space<vmem>>) dst(%dma_wait3A_76 : memref<128x16xf32, #tpu.memory_space<vmem_shared>>)
      tpu.yield
    }) : () -> ()
    %mul3A_22 = arith.constant 632 : i32
    %mul3A_23 = arith.muli %arg1, %mul3A_22 : i32
    %add3A_24 = arith.constant 384 : i32
    %add3A_25 = arith.addi %mul3A_23, %add3A_24 : i32
    "tpu.region"() ({
      %run_scoped3A = tpu.sem_alloc : memref<!tpu.dma_semaphore, #tpu.memory_space<semaphore_mem>>
      %dma_start3A_69 = arith.constant 0 : i32
      %dma_start3A_70 = tpu.memref_slice %arg6[%add3A_25, %dma_start3A_69] : memref<10112x16xf32, #tpu.memory_space<vmem_shared>> -> memref<128x16xf32, #tpu.memory_space<vmem_shared>>
      %dma_start3A_71 = arith.constant 0 : i32
      %dma_start3A_72 = tpu.memref_slice %arg6[%add3A_25, %dma_start3A_71] : memref<10112x16xf32, #tpu.memory_space<vmem_shared>> -> memref<128x16xf32, #tpu.memory_space<vmem_shared>>
      tpu.enqueue_dma source(%arg4 : memref<128x16xf32, #tpu.memory_space<vmem>>) target(%dma_start3A_72 : memref<128x16xf32, #tpu.memory_space<vmem_shared>>) target_semaphore(%run_scoped3A : memref<!tpu.dma_semaphore, #tpu.memory_space<semaphore_mem>>)
      %dma_wait3A_73 = arith.constant 0 : i32
      %dma_wait3A_74 = tpu.memref_slice %arg6[%add3A_25, %dma_wait3A_73] : memref<10112x16xf32, #tpu.memory_space<vmem_shared>> -> memref<128x16xf32, #tpu.memory_space<vmem_shared>>
      %dma_wait3A_75 = arith.constant 0 : i32
      %dma_wait3A_76 = tpu.memref_slice %arg6[%add3A_25, %dma_wait3A_75] : memref<10112x16xf32, #tpu.memory_space<vmem_shared>> -> memref<128x16xf32, #tpu.memory_space<vmem_shared>>
      tpu.wait_dma2 semaphore(%run_scoped3A : memref<!tpu.dma_semaphore, #tpu.memory_space<semaphore_mem>>) src(%arg4 : memref<128x16xf32, #tpu.memory_space<vmem>>) dst(%dma_wait3A_76 : memref<128x16xf32, #tpu.memory_space<vmem_shared>>)
      tpu.yield
    }) : () -> ()
    %mul3A_26 = arith.constant 632 : i32
    %mul3A_27 = arith.muli %arg1, %mul3A_26 : i32
    %add3A_28 = arith.constant 512 : i32
    %add3A_29 = arith.addi %mul3A_27, %add3A_28 : i32
    "tpu.region"() ({
      %run_scoped3A = tpu.sem_alloc : memref<!tpu.dma_semaphore, #tpu.memory_space<semaphore_mem>>
      %dma_start3A_69 = arith.constant 0 : i32
      %dma_start3A_70 = arith.constant 0 : i32
      %dma_start3A_71 = tpu.memref_slice %arg4[%dma_start3A_69, %dma_start3A_70] : memref<128x16xf32, #tpu.memory_space<vmem>> -> memref<120x16xf32, #tpu.memory_space<vmem>>
      %dma_start3A_72 = arith.constant 0 : i32
      %dma_start3A_73 = tpu.memref_slice %arg6[%add3A_29, %dma_start3A_72] : memref<10112x16xf32, #tpu.memory_space<vmem_shared>> -> memref<120x16xf32, #tpu.memory_space<vmem_shared>>
      %dma_start3A_74 = arith.constant 0 : i32
      %dma_start3A_75 = tpu.memref_slice %arg6[%add3A_29, %dma_start3A_74] : memref<10112x16xf32, #tpu.memory_space<vmem_shared>> -> memref<120x16xf32, #tpu.memory_space<vmem_shared>>
      %dma_start3A_76 = arith.constant 0 : i32
      %dma_start3A_77 = arith.constant 0 : i32
      %dma_start3A_78 = tpu.memref_slice %arg4[%dma_start3A_76, %dma_start3A_77] : memref<128x16xf32, #tpu.memory_space<vmem>> -> memref<120x16xf32, #tpu.memory_space<vmem>>
      tpu.enqueue_dma source(%dma_start3A_78 : memref<120x16xf32, #tpu.memory_space<vmem>>) target(%dma_start3A_75 : memref<120x16xf32, #tpu.memory_space<vmem_shared>>) target_semaphore(%run_scoped3A : memref<!tpu.dma_semaphore, #tpu.memory_space<semaphore_mem>>)
      %dma_wait3A_79 = arith.constant 0 : i32
      %dma_wait3A_80 = arith.constant 0 : i32
      %dma_wait3A_81 = tpu.memref_slice %arg4[%dma_wait3A_79, %dma_wait3A_80] : memref<128x16xf32, #tpu.memory_space<vmem>> -> memref<120x16xf32, #tpu.memory_space<vmem>>
      %dma_wait3A_82 = arith.constant 0 : i32
      %dma_wait3A_83 = tpu.memref_slice %arg6[%add3A_29, %dma_wait3A_82] : memref<10112x16xf32, #tpu.memory_space<vmem_shared>> -> memref<120x16xf32, #tpu.memory_space<vmem_shared>>
      %dma_wait3A_84 = arith.constant 0 : i32
      %dma_wait3A_85 = tpu.memref_slice %arg6[%add3A_29, %dma_wait3A_84] : memref<10112x16xf32, #tpu.memory_space<vmem_shared>> -> memref<120x16xf32, #tpu.memory_space<vmem_shared>>
      %dma_wait3A_86 = arith.constant 0 : i32
      %dma_wait3A_87 = arith.constant 0 : i32
      %dma_wait3A_88 = tpu.memref_slice %arg4[%dma_wait3A_86, %dma_wait3A_87] : memref<128x16xf32, #tpu.memory_space<vmem>> -> memref<120x16xf32, #tpu.memory_space<vmem>>
      tpu.wait_dma2 semaphore(%run_scoped3A : memref<!tpu.dma_semaphore, #tpu.memory_space<semaphore_mem>>) src(%dma_wait3A_88 : memref<120x16xf32, #tpu.memory_space<vmem>>) dst(%dma_wait3A_85 : memref<120x16xf32, #tpu.memory_space<vmem_shared>>)
      tpu.yield
    }) : () -> ()
    %scan3A_30 = arith.constant 0 : i32
    %scan3A_31 = arith.constant 128 : i32
    %scan3A_32 = arith.addi %scan3A_30, %scan3A_31 : i32
    %scan3A_33 = arith.constant 1 : i32
    scf.for %scan3A_69 = %scan3A_30 to %scan3A_32 step %scan3A_33  : i32 {
      %mul3A_70 = arith.constant 1 : i32
      %mul3A_71 = arith.muli %scan3A_69, %mul3A_70 : i32
      %add3A_72 = arith.constant 0 : i32
      %add3A_73 = arith.addi %add3A_72, %mul3A_71 : i32
      %broadcast_in_dim3A = arith.constant 1.000000e+00 : f32
      %broadcast_in_dim3A_74 = vector.broadcast %broadcast_in_dim3A : f32 to vector<16xf32>
      %swap3A = arith.index_cast %add3A_73 : i32 to index
      %swap3A_75 = arith.constant 0 : index
      %swap3A_76 = tpu.vector_load %arg4[%swap3A, %swap3A_75] {strides = array<i32>} : memref<128x16xf32, #tpu.memory_space<vmem>>, vector<1x16xf32>,
      %swap3A_77 = vector.shape_cast %swap3A_76 : vector<1x16xf32> to vector<16xf32>
      %swap3A_78 = vector.shape_cast %broadcast_in_dim3A_74 : vector<16xf32> to vector<1x16xf32>
      tpu.vector_store %arg4[%swap3A, %swap3A_75], %swap3A_78 {strides = array<i32>} : memref<128x16xf32, #tpu.memory_space<vmem>>, vector<1x16xf32>,
    }
    %scan3A_34 = arith.constant 128 : i32
    %dma_wait3A = arith.constant 0 : i32
    %dma_wait3A_35 = tpu.memref_slice %arg2[%mul3A_2, %dma_wait3A] : memref<2560x128xi32, #tpu.memory_space<hbm>> -> memref<80x128xi32, #tpu.memory_space<hbm>>
    %dma_wait3A_36 = arith.constant 0 : i32
    %dma_wait3A_37 = tpu.memref_slice %arg2[%mul3A_2, %dma_wait3A_36] : memref<2560x128xi32, #tpu.memory_space<hbm>> -> memref<80x128xi32, #tpu.memory_space<hbm>>
    tpu.wait_dma2 semaphore(%arg8 : memref<!tpu.dma_semaphore, #tpu.memory_space<semaphore_mem>>) src(%dma_wait3A_37 : memref<80x128xi32, #tpu.memory_space<hbm>>) dst(%arg5 : memref<80x128xi32, #tpu.memory_space<vmem>>)
    %barrier3A = arith.constant 0 : index
    tpu.barrier barrier_id(%barrier3A)
    %scan3A_38 = arith.constant 0 : i32
    %scan3A_39 = arith.constant 80 : i32
    %scan3A_40 = arith.addi %scan3A_38, %scan3A_39 : i32
    %scan3A_41 = arith.constant 1 : i32
    scf.for %scan3A_69 = %scan3A_38 to %scan3A_40 step %scan3A_41  : i32 {
      %mul3A_70 = arith.constant 1 : i32
      %mul3A_71 = arith.muli %scan3A_69, %mul3A_70 : i32
      %add3A_72 = arith.constant 0 : i32
      %add3A_73 = arith.addi %add3A_72, %mul3A_71 : i32
      %dma_start3A_74 = arith.constant 0 : i32
      %dma_start3A_75 = tpu.memref_slice %arg5[%add3A_73, %dma_start3A_74] : memref<80x128xi32, #tpu.memory_space<vmem>> -> memref<1x128xi32, #tpu.memory_space<vmem>>
      %dma_start3A_76 = tpu.memref_squeeze %dma_start3A_75 : memref<1x128xi32, #tpu.memory_space<vmem>> -> memref<128xi32, #tpu.memory_space<vmem>>
      %dma_start3A_77 = arith.constant 0 : i32
      %dma_start3A_78 = arith.constant 0 : i32
      %dma_start3A_79 = tpu.memref_slice %arg6[%dma_start3A_77, %dma_start3A_78] : memref<10112x16xf32, #tpu.memory_space<vmem_shared>> -> memref<10112x16xf32, #tpu.memory_space<vmem_shared>>
      tpu.enqueue_indirect_dma source(%arg4 : memref<128x16xf32, #tpu.memory_space<vmem>>) target(%dma_start3A_79 : memref<10112x16xf32, #tpu.memory_space<vmem_shared>>) offsets(%dma_start3A_76 : memref<128xi32, #tpu.memory_space<vmem>>) semaphore(%arg7 : memref<!tpu.dma_semaphore, #tpu.memory_space<semaphore_mem>>) {add = true}
    }
    %scan3A_42 = arith.constant 80 : i32
    %scan3A_43 = arith.constant 0 : i32
    %scan3A_44 = arith.constant 80 : i32
    %scan3A_45 = arith.addi %scan3A_43, %scan3A_44 : i32
    %scan3A_46 = arith.constant 1 : i32
    scf.for %scan3A_69 = %scan3A_43 to %scan3A_45 step %scan3A_46  : i32 {
      %mul3A_70 = arith.constant 1 : i32
      %mul3A_71 = arith.muli %scan3A_69, %mul3A_70 : i32
      %add3A_72 = arith.constant 0 : i32
      %add3A_73 = arith.addi %add3A_72, %mul3A_71 : i32
      %dma_wait3A_74 = arith.constant 0 : i32
      %dma_wait3A_75 = tpu.memref_slice %arg5[%add3A_73, %dma_wait3A_74] : memref<80x128xi32, #tpu.memory_space<vmem>> -> memref<1x128xi32, #tpu.memory_space<vmem>>
      %dma_wait3A_76 = tpu.memref_squeeze %dma_wait3A_75 : memref<1x128xi32, #tpu.memory_space<vmem>> -> memref<128xi32, #tpu.memory_space<vmem>>
      %dma_wait3A_77 = arith.constant 0 : i32
      %dma_wait3A_78 = arith.constant 0 : i32
      %dma_wait3A_79 = tpu.memref_slice %arg6[%dma_wait3A_77, %dma_wait3A_78] : memref<10112x16xf32, #tpu.memory_space<vmem_shared>> -> memref<10112x16xf32, #tpu.memory_space<vmem_shared>>
      tpu.wait_indirect_dma semaphore(%arg7 : memref<!tpu.dma_semaphore, #tpu.memory_space<semaphore_mem>>) src(%arg4 : memref<128x16xf32, #tpu.memory_space<vmem>>) dst(%dma_wait3A_79 : memref<10112x16xf32, #tpu.memory_space<vmem_shared>>)
    }
    %scan3A_47 = arith.constant 80 : i32
    %barrier3A_48 = arith.constant 0 : index
    tpu.barrier barrier_id(%barrier3A_48)
    %mul3A_49 = arith.constant 632 : i32
    %mul3A_50 = arith.muli %arg1, %mul3A_49 : i32
    %add3A_51 = arith.constant 0 : i32
    %add3A_52 = arith.addi %mul3A_50, %add3A_51 : i32
    "tpu.region"() ({
      %run_scoped3A = tpu.sem_alloc : memref<!tpu.dma_semaphore, #tpu.memory_space<semaphore_mem>>
      %dma_start3A_69 = arith.constant 0 : i32
      %dma_start3A_70 = tpu.memref_slice %arg3[%arg0, %add3A_52, %dma_start3A_69] : memref<2x10112x16xf32, #tpu.memory_space<hbm>> -> memref<1x128x16xf32, #tpu.memory_space<hbm>>
      %dma_start3A_71 = tpu.memref_squeeze %dma_start3A_70 : memref<1x128x16xf32, #tpu.memory_space<hbm>> -> memref<128x16xf32, #tpu.memory_space<hbm>>
      %dma_start3A_72 = arith.constant 0 : i32
      %dma_start3A_73 = tpu.memref_slice %arg6[%add3A_52, %dma_start3A_72] : memref<10112x16xf32, #tpu.memory_space<vmem_shared>> -> memref<128x16xf32, #tpu.memory_space<vmem_shared>>
      tpu.enqueue_dma source(%dma_start3A_73 : memref<128x16xf32, #tpu.memory_space<vmem_shared>>) target(%dma_start3A_71 : memref<128x16xf32, #tpu.memory_space<hbm>>) target_semaphore(%run_scoped3A : memref<!tpu.dma_semaphore, #tpu.memory_space<semaphore_mem>>)
      %dma_wait3A_74 = arith.constant 0 : i32
      %dma_wait3A_75 = tpu.memref_slice %arg3[%arg0, %add3A_52, %dma_wait3A_74] : memref<2x10112x16xf32, #tpu.memory_space<hbm>> -> memref<1x128x16xf32, #tpu.memory_space<hbm>>
      %dma_wait3A_76 = tpu.memref_squeeze %dma_wait3A_75 : memref<1x128x16xf32, #tpu.memory_space<hbm>> -> memref<128x16xf32, #tpu.memory_space<hbm>>
      %dma_wait3A_77 = arith.constant 0 : i32
      %dma_wait3A_78 = tpu.memref_slice %arg6[%add3A_52, %dma_wait3A_77] : memref<10112x16xf32, #tpu.memory_space<vmem_shared>> -> memref<128x16xf32, #tpu.memory_space<vmem_shared>>
      tpu.wait_dma2 semaphore(%run_scoped3A : memref<!tpu.dma_semaphore, #tpu.memory_space<semaphore_mem>>) src(%dma_wait3A_78 : memref<128x16xf32, #tpu.memory_space<vmem_shared>>) dst(%dma_wait3A_76 : memref<128x16xf32, #tpu.memory_space<hbm>>)
      tpu.yield
    }) : () -> ()
    %mul3A_53 = arith.constant 632 : i32
    %mul3A_54 = arith.muli %arg1, %mul3A_53 : i32
    %add3A_55 = arith.constant 128 : i32
    %add3A_56 = arith.addi %mul3A_54, %add3A_55 : i32
    "tpu.region"() ({
      %run_scoped3A = tpu.sem_alloc : memref<!tpu.dma_semaphore, #tpu.memory_space<semaphore_mem>>
      %dma_start3A_69 = arith.constant 0 : i32
      %dma_start3A_70 = tpu.memref_slice %arg3[%arg0, %add3A_56, %dma_start3A_69] : memref<2x10112x16xf32, #tpu.memory_space<hbm>> -> memref<1x128x16xf32, #tpu.memory_space<hbm>>
      %dma_start3A_71 = tpu.memref_squeeze %dma_start3A_70 : memref<1x128x16xf32, #tpu.memory_space<hbm>> -> memref<128x16xf32, #tpu.memory_space<hbm>>
      %dma_start3A_72 = arith.constant 0 : i32
      %dma_start3A_73 = tpu.memref_slice %arg6[%add3A_56, %dma_start3A_72] : memref<10112x16xf32, #tpu.memory_space<vmem_shared>> -> memref<128x16xf32, #tpu.memory_space<vmem_shared>>
      tpu.enqueue_dma source(%dma_start3A_73 : memref<128x16xf32, #tpu.memory_space<vmem_shared>>) target(%dma_start3A_71 : memref<128x16xf32, #tpu.memory_space<hbm>>) target_semaphore(%run_scoped3A : memref<!tpu.dma_semaphore, #tpu.memory_space<semaphore_mem>>)
      %dma_wait3A_74 = arith.constant 0 : i32
      %dma_wait3A_75 = tpu.memref_slice %arg3[%arg0, %add3A_56, %dma_wait3A_74] : memref<2x10112x16xf32, #tpu.memory_space<hbm>> -> memref<1x128x16xf32, #tpu.memory_space<hbm>>
      %dma_wait3A_76 = tpu.memref_squeeze %dma_wait3A_75 : memref<1x128x16xf32, #tpu.memory_space<hbm>> -> memref<128x16xf32, #tpu.memory_space<hbm>>
      %dma_wait3A_77 = arith.constant 0 : i32
      %dma_wait3A_78 = tpu.memref_slice %arg6[%add3A_56, %dma_wait3A_77] : memref<10112x16xf32, #tpu.memory_space<vmem_shared>> -> memref<128x16xf32, #tpu.memory_space<vmem_shared>>
      tpu.wait_dma2 semaphore(%run_scoped3A : memref<!tpu.dma_semaphore, #tpu.memory_space<semaphore_mem>>) src(%dma_wait3A_78 : memref<128x16xf32, #tpu.memory_space<vmem_shared>>) dst(%dma_wait3A_76 : memref<128x16xf32, #tpu.memory_space<hbm>>)
      tpu.yield
    }) : () -> ()
    %mul3A_57 = arith.constant 632 : i32
    %mul3A_58 = arith.muli %arg1, %mul3A_57 : i32
    %add3A_59 = arith.constant 256 : i32
    %add3A_60 = arith.addi %mul3A_58, %add3A_59 : i32
    "tpu.region"() ({
      %run_scoped3A = tpu.sem_alloc : memref<!tpu.dma_semaphore, #tpu.memory_space<semaphore_mem>>
      %dma_start3A_69 = arith.constant 0 : i32
      %dma_start3A_70 = tpu.memref_slice %arg3[%arg0, %add3A_60, %dma_start3A_69] : memref<2x10112x16xf32, #tpu.memory_space<hbm>> -> memref<1x128x16xf32, #tpu.memory_space<hbm>>
      %dma_start3A_71 = tpu.memref_squeeze %dma_start3A_70 : memref<1x128x16xf32, #tpu.memory_space<hbm>> -> memref<128x16xf32, #tpu.memory_space<hbm>>
      %dma_start3A_72 = arith.constant 0 : i32
      %dma_start3A_73 = tpu.memref_slice %arg6[%add3A_60, %dma_start3A_72] : memref<10112x16xf32, #tpu.memory_space<vmem_shared>> -> memref<128x16xf32, #tpu.memory_space<vmem_shared>>
      tpu.enqueue_dma source(%dma_start3A_73 : memref<128x16xf32, #tpu.memory_space<vmem_shared>>) target(%dma_start3A_71 : memref<128x16xf32, #tpu.memory_space<hbm>>) target_semaphore(%run_scoped3A : memref<!tpu.dma_semaphore, #tpu.memory_space<semaphore_mem>>)
      %dma_wait3A_74 = arith.constant 0 : i32
      %dma_wait3A_75 = tpu.memref_slice %arg3[%arg0, %add3A_60, %dma_wait3A_74] : memref<2x10112x16xf32, #tpu.memory_space<hbm>> -> memref<1x128x16xf32, #tpu.memory_space<hbm>>
      %dma_wait3A_76 = tpu.memref_squeeze %dma_wait3A_75 : memref<1x128x16xf32, #tpu.memory_space<hbm>> -> memref<128x16xf32, #tpu.memory_space<hbm>>
      %dma_wait3A_77 = arith.constant 0 : i32
      %dma_wait3A_78 = tpu.memref_slice %arg6[%add3A_60, %dma_wait3A_77] : memref<10112x16xf32, #tpu.memory_space<vmem_shared>> -> memref<128x16xf32, #tpu.memory_space<vmem_shared>>
      tpu.wait_dma2 semaphore(%run_scoped3A : memref<!tpu.dma_semaphore, #tpu.memory_space<semaphore_mem>>) src(%dma_wait3A_78 : memref<128x16xf32, #tpu.memory_space<vmem_shared>>) dst(%dma_wait3A_76 : memref<128x16xf32, #tpu.memory_space<hbm>>)
      tpu.yield
    }) : () -> ()
    %mul3A_61 = arith.constant 632 : i32
    %mul3A_62 = arith.muli %arg1, %mul3A_61 : i32
    %add3A_63 = arith.constant 384 : i32
    %add3A_64 = arith.addi %mul3A_62, %add3A_63 : i32
    "tpu.region"() ({
      %run_scoped3A = tpu.sem_alloc : memref<!tpu.dma_semaphore, #tpu.memory_space<semaphore_mem>>
      %dma_start3A_69 = arith.constant 0 : i32
      %dma_start3A_70 = tpu.memref_slice %arg3[%arg0, %add3A_64, %dma_start3A_69] : memref<2x10112x16xf32, #tpu.memory_space<hbm>> -> memref<1x128x16xf32, #tpu.memory_space<hbm>>
      %dma_start3A_71 = tpu.memref_squeeze %dma_start3A_70 : memref<1x128x16xf32, #tpu.memory_space<hbm>> -> memref<128x16xf32, #tpu.memory_space<hbm>>
      %dma_start3A_72 = arith.constant 0 : i32
      %dma_start3A_73 = tpu.memref_slice %arg6[%add3A_64, %dma_start3A_72] : memref<10112x16xf32, #tpu.memory_space<vmem_shared>> -> memref<128x16xf32, #tpu.memory_space<vmem_shared>>
      tpu.enqueue_dma source(%dma_start3A_73 : memref<128x16xf32, #tpu.memory_space<vmem_shared>>) target(%dma_start3A_71 : memref<128x16xf32, #tpu.memory_space<hbm>>) target_semaphore(%run_scoped3A : memref<!tpu.dma_semaphore, #tpu.memory_space<semaphore_mem>>)
      %dma_wait3A_74 = arith.constant 0 : i32
      %dma_wait3A_75 = tpu.memref_slice %arg3[%arg0, %add3A_64, %dma_wait3A_74] : memref<2x10112x16xf32, #tpu.memory_space<hbm>> -> memref<1x128x16xf32, #tpu.memory_space<hbm>>
      %dma_wait3A_76 = tpu.memref_squeeze %dma_wait3A_75 : memref<1x128x16xf32, #tpu.memory_space<hbm>> -> memref<128x16xf32, #tpu.memory_space<hbm>>
      %dma_wait3A_77 = arith.constant 0 : i32
      %dma_wait3A_78 = tpu.memref_slice %arg6[%add3A_64, %dma_wait3A_77] : memref<10112x16xf32, #tpu.memory_space<vmem_shared>> -> memref<128x16xf32, #tpu.memory_space<vmem_shared>>
      tpu.wait_dma2 semaphore(%run_scoped3A : memref<!tpu.dma_semaphore, #tpu.memory_space<semaphore_mem>>) src(%dma_wait3A_78 : memref<128x16xf32, #tpu.memory_space<vmem_shared>>) dst(%dma_wait3A_76 : memref<128x16xf32, #tpu.memory_space<hbm>>)
      tpu.yield
    }) : () -> ()
    %mul3A_65 = arith.constant 632 : i32
    %mul3A_66 = arith.muli %arg1, %mul3A_65 : i32
    %add3A_67 = arith.constant 512 : i32
    %add3A_68 = arith.addi %mul3A_66, %add3A_67 : i32
    "tpu.region"() ({
      %run_scoped3A = tpu.sem_alloc : memref<!tpu.dma_semaphore, #tpu.memory_space<semaphore_mem>>
      %dma_start3A_69 = arith.constant 0 : i32
      %dma_start3A_70 = tpu.memref_slice %arg3[%arg0, %add3A_68, %dma_start3A_69] : memref<2x10112x16xf32, #tpu.memory_space<hbm>> -> memref<1x120x16xf32, #tpu.memory_space<hbm>>
      %dma_start3A_71 = tpu.memref_squeeze %dma_start3A_70 : memref<1x120x16xf32, #tpu.memory_space<hbm>> -> memref<120x16xf32, #tpu.memory_space<hbm>>
      %dma_start3A_72 = arith.constant 0 : i32
      %dma_start3A_73 = tpu.memref_slice %arg6[%add3A_68, %dma_start3A_72] : memref<10112x16xf32, #tpu.memory_space<vmem_shared>> -> memref<120x16xf32, #tpu.memory_space<vmem_shared>>
      tpu.enqueue_dma source(%dma_start3A_73 : memref<120x16xf32, #tpu.memory_space<vmem_shared>>) target(%dma_start3A_71 : memref<120x16xf32, #tpu.memory_space<hbm>>) target_semaphore(%run_scoped3A : memref<!tpu.dma_semaphore, #tpu.memory_space<semaphore_mem>>)
      %dma_wait3A_74 = arith.constant 0 : i32
      %dma_wait3A_75 = tpu.memref_slice %arg3[%arg0, %add3A_68, %dma_wait3A_74] : memref<2x10112x16xf32, #tpu.memory_space<hbm>> -> memref<1x120x16xf32, #tpu.memory_space<hbm>>
      %dma_wait3A_76 = tpu.memref_squeeze %dma_wait3A_75 : memref<1x120x16xf32, #tpu.memory_space<hbm>> -> memref<120x16xf32, #tpu.memory_space<hbm>>
      %dma_wait3A_77 = arith.constant 0 : i32
      %dma_wait3A_78 = tpu.memref_slice %arg6[%add3A_68, %dma_wait3A_77] : memref<10112x16xf32, #tpu.memory_space<vmem_shared>> -> memref<120x16xf32, #tpu.memory_space<vmem_shared>>
      tpu.wait_dma2 semaphore(%run_scoped3A : memref<!tpu.dma_semaphore, #tpu.memory_space<semaphore_mem>>) src(%dma_wait3A_78 : memref<120x16xf32, #tpu.memory_space<vmem_shared>>) dst(%dma_wait3A_76 : memref<120x16xf32, #tpu.memory_space<hbm>>)
      tpu.yield
    }) : () -> ()
    return
  }
}

</mosaic_0001>

<sc_bundles>
// kernel: _deg_call.3.cloned.1.call-start
scs
__scs_entry_jumppad:
0x0: {  	(pc) =	sbr.rel $0x88, $3  }
0x1: {  	(tag) =	ssettag $0x0;
	lr =	simm.s32 $0x1  }
0x2: {  	[smem:$0x3FA0] =	sst lr;
	_ =	strace $0xD0000000  }
0x3: {  	_ = 	snop  }
0x4: {  	_ = 	snop  }
0x5: {  	_ = 	snop  }
0x6: {  	_ = 	snop  }
0x7: {  	_ = 	snop  }
__scs_overlays_trampoline_lowered:
0x8: {  	[smem:$0x3FAF] =	sst s0  }
0x9: {  	[smem:$0x3FB0] =	sst s1  }
0xa: {  	[smem:$0x3FB1] =	sst s2  }
0xb: {  	[smem:$0x3FB2] =	sst s3  }
0xc: {  	[smem:$0x3FB3] =	sst s4  }
0xd: {  	[smem:$0x3FB4] =	sst s5  }
0xe: {  	[smem:$0x3FB5] =	sst s6  }
0xf: {  	[smem:$0x3FB6] =	sst s7  }
0x10: {  	[smem:$0x3FB7] =	sst s8  }
0x11: {  	[smem:$0x3FB8] =	sst s9;
	s0 =	simm.s32 @!p0 $0x0  }
0x12: {  	s1 =	sld [smem:$0x3F9E];
	s0 =	simm.s32 @p0 $0x1  }
0x13: {  	[smem:$0x3FB9] =	sst s0;
	s0 =	simm.s32 @!p1 $0x0  }
0x14: {  	s2 =	sld [smem:$0x3F9D];
	s0 =	simm.s32 @p1 $0x1  }
0x15: {  	[smem:$0x3FBA] =	sst s0;
	s0 =	simm.s32 @!p2 $0x0  }
0x16: {  	s3 =	sld [smem:$0x3FDB];
	s0 =	simm.s32 @p2 $0x1  }
0x17: {  	s4 =	simm.s32 $0x1BF5;
	[smem:$0x3FBC] =	sst s0  }
0x18: {  	s0 =	sld [smem:$0x3F9F];
	_ =	swait.ge [sflag:s4], $0x0  }
0x19: {  	s7 =	sld [smem:$0x3FA0]  }
0x1a: {  	s8 =	sadd.s32 $0xFFFFE003, lr  }
0x1b: {  	s9 =	sadd.s32 $0xFFFFFEF7, lr;
	s5 =	simm.s32 $0xFFFFFFFF;
	p2 =	slt.u32 s8, $0xFFFFF086  }
0x1c: {  	p1 =	slt.u32 s9, $0xF7A;
	s5 =	simm.s32 @!p2 $0x0  }
0x1d: {  	s5 =	simm.s32 @p1 $0x1;
	p0 =	seq.s32 s7, s2  }
0x1e: {  	s7 =	smul.u32 @!p0 $0xF7A, s2;
	p2 =	seq.s32 @!p0 s5, $0x0  }
0x1f: {  	s9 =	smul.u32 $0xF7A, s1;
	s8 =	simm.s32 @!p0 $0x1BF5;
	p2 =	por !p2, p0  }
0x20: {  	[sflag:s8] =	ssyncset.s32 @!p0 $0xFFFFF086;
	s6 =	sadd.s32 @!p0 s3, s7;
	s7 =	simm.s32 @!p0 $0x108  }
0x21: {  	s3 =	sadd.s32 s3, s9;
	s6 =	sadd.s32 @!p0 $0x88, s6;
	s7 =	simm.s32 @p2 $0x1082  }
0x22: {  	[simem:s7], [sflag:s8] =	dma.local @!p0 [hbm:s6], $0xF7A  }
0x23: {  	s9 =	sor.u32 $0xD0000000, s2;
	s6 =	simm.s32 $0x108;
	_ =	swait.ge @!p0 [sflag:s8], $0x0  }
0x24: {  	s3 =	sadd.s32 $0x88, s3;
	s6 =	simm.s32 @!p1 $0x1082;
	[sflag:s4] =	ssyncset.s32 $0xFFFFF086  }
0x25: {  	[simem:s6], [sflag:s4] =	dma.local [hbm:s3], $0xF7A  }
0x26: {  	[smem:$0x3FA0] =	sst s1;
	(tag) =	ssettag s2;
	_ =	strace s9  }
0x27: {  	s1 =	sld [smem:$0x3FB0]  }
0x28: {  	s2 =	sld [smem:$0x3FB1]  }
0x29: {  	s4 =	sld [smem:$0x3FB3]  }
0x2a: {  	p0 =	seq.s32 s5, $0x0;
	s5 =	sld [smem:$0x3FB4]  }
0x2b: {  	s6 =	sld [smem:$0x3FB5]  }
0x2c: {  	s7 =	sld [smem:$0x3FB6]  }
0x2d: {  	s3 =	simm.s32 $0x108;
	s8 =	sld [smem:$0x3FB7]  }
0x2e: {  	s3 =	simm.s32 @!p0 $0x1082;
	s9 =	sld [smem:$0x3FB8]  }
0x2f: {  	lr =	sadd.s32 s0, s3;
	s0 =	sld [smem:$0x3FAF]  }
0x30: {  	s3 =	sld [smem:$0x3FB2]  }
0x31: {  	[smem:$0x3FBB] =	sst s10  }
0x32: {  	s10 =	sld [smem:$0x3FB9];
	_ =	sdelay $0x3  }
0x33: {  	p0 =	seq.s32 s10, $0x1;
	s10 =	sld [smem:$0x3FBB];
	_ =	sdelay $0x3  }
0x34: {  	[smem:$0x3FBB] =	sst s10  }
0x35: {  	s10 =	sld [smem:$0x3FBA];
	_ =	sdelay $0x3  }
0x36: {  	p1 =	seq.s32 s10, $0x1;
	s10 =	sld [smem:$0x3FBB];
	_ =	sdelay $0x3  }
0x37: {  	[smem:$0x3FBB] =	sst s10  }
0x38: {  	s10 =	sld [smem:$0x3FBC]  }
0x39: {  	_ = 	snop;
	(pc) =	sbr.ind lr, $3  }
0x3a: {  	_ = 	snop  }
0x3b: {  	_ = 	snop  }
0x3c: {  	p2 =	seq.s32 s10, $0x1;
	s10 =	sld [smem:$0x3FBB]  }
0x3d: {  	_ =	shalt  }
0x3e: {  	_ =	shalt  }
0x3f: {  	_ =	shalt  }
0x40: {  	_ =	shalt  }
0x41: {  	_ =	shalt  }
0x42: {  	_ =	shalt  }
0x43: {  	_ =	shalt  }
0x44: {  	_ =	shalt  }
0x45: {  	_ =	shalt  }
0x46: {  	_ =	shalt  }
0x47: {  	_ =	shalt  }
0x48: {  	_ =	shalt  }
0x49: {  	_ =	shalt  }
0x4a: {  	_ =	shalt  }
0x4b: {  	_ =	shalt  }
0x4c: {  	_ =	shalt  }
0x4d: {  	_ =	shalt  }
0x4e: {  	_ =	shalt  }
0x4f: {  	_ =	shalt  }
0x50: {  	_ =	shalt  }
0x51: {  	_ =	shalt  }
0x52: {  	_ =	shalt  }
0x53: {  	_ =	shalt  }
0x54: {  	_ =	shalt  }
0x55: {  	_ =	shalt  }
0x56: {  	_ =	shalt  }
0x57: {  	_ =	shalt  }
0x58: {  	_ =	shalt  }
0x59: {  	_ =	shalt  }
0x5a: {  	_ =	shalt  }
0x5b: {  	_ =	shalt  }
0x5c: {  	_ =	shalt  }
0x5d: {  	_ =	shalt  }
0x5e: {  	_ =	shalt  }
0x5f: {  	_ =	shalt  }
0x60: {  	_ =	shalt  }
0x61: {  	_ =	shalt  }
0x62: {  	_ =	shalt  }
0x63: {  	_ =	shalt  }
0x64: {  	_ =	shalt  }
0x65: {  	_ =	shalt  }
0x66: {  	_ =	shalt  }
0x67: {  	_ =	shalt  }
0x68: {  	_ =	shalt  }
0x69: {  	_ =	shalt  }
0x6a: {  	_ =	shalt  }
0x6b: {  	_ =	shalt  }
0x6c: {  	_ =	shalt  }
0x6d: {  	_ =	shalt  }
0x6e: {  	_ =	shalt  }
0x6f: {  	_ =	shalt  }
0x70: {  	_ =	shalt  }
0x71: {  	_ =	shalt  }
0x72: {  	_ =	shalt  }
0x73: {  	_ =	shalt  }
0x74: {  	_ =	shalt  }
0x75: {  	_ =	shalt  }
0x76: {  	_ =	shalt  }
0x77: {  	_ =	shalt  }
0x78: {  	_ =	shalt  }
0x79: {  	_ =	shalt  }
0x7a: {  	_ =	shalt  }
0x7b: {  	_ =	shalt  }
0x7c: {  	_ =	shalt  }
0x7d: {  	_ =	shalt  }
0x7e: {  	_ =	shalt  }
0x7f: {  	_ =	shalt  }
0x80: {  	_ =	shalt  }
0x81: {  	_ =	shalt  }
0x82: {  	_ =	shalt  }
0x83: {  	_ =	shalt  }
0x84: {  	_ =	shalt  }
0x85: {  	_ =	shalt  }
0x86: {  	_ =	shalt  }
0x87: {  	_ =	shalt  }
.Lfunc_end0:
.L_simem_size_0:
called_computation_lowered:
.L_overlay_start_0:
0x88: {  	s2 =	sld [smem:$0x3FD9]  }
0x89: {  	s3 =	sld [smem:$0x3FFE];
	_ =	sdelay $0x1  }
0x8a: {  	s1 =	srdreg.scid  }
0x8b: {  	s0 =	sand.u32 $0x1, s1  }
0x8c: {  	s17 =	sshll.u32 s0, $0xA;
	s2 =	sadd.s32 s3, s2  }
0x8d: {  	s2 =	sadd.s32 s2, s17  }
0x8e: {  	[smem:$0x3FC7] =	sst s2  }
0x8f: {  	_ = 	snop  }
0x90: {  	s2 =	sld [smem:$0x3FC9];
	(tm) =	ssettm $0x1  }
0x91: {  	s18 =	sld [smem:$0x3FFB];
	_ =	sdelay $0x3  }
0x92: {  	_ =	strace s18  }
0x93: {  	s3 =	sld [smem:$0x3FFC];
	_ =	sdelay $0x3  }
0x94: {  	_ =	strace s3  }
0x95: {  	s3 =	sld [smem:$0x3FFD];
	_ =	sdelay $0x3  }
0x96: {  	_ =	strace s3  }
0x97: {  	_ =	strace $0x8FFFFFFF  }
0x98: {  	s19 =	sld [smem:$0x3FDB];
	_ =	sdelay $0x1  }
0x99: {  	s4 =	simm.s32 $_scs_section_size  }
0x9a: {  	s5 =	simm.s32 $_size__tile_overlayer_lowered;
	s6 =	simm.s32 $_tile_overlayer_lowered  }
0x9b: {  	s22 =	simm.s32 $0x1BFF;
	s21 =	sshll.u32 s6, $0x1;
	s3 =	sadd.s32 s4, s19  }
0x9c: {  	s7 =	simm.s32 $0x0;
	s20 =	sshll.u32 s5, $0x1;
	s5 =	sadd.s32 s21, s3  }
0x9d: {  	[timem:s7], [sflag:s22] =	dma.local [hbm:s5], s20  }
0x9e: {  	_ =	swait.ge [sflag:s22], s20  }
0x9f: {  	s4 =	ssub.s32 $0x0, s20;
	[sflag:s22] =	ssyncset.done $0x0  }
0xa0: {  	[sflag:s22] =	ssyncadd.s32 s4;
	_ =	sdelay $0x1  }
0xa1: {  	s23 =	simm.s32 $0x1B8B  }
0xa2: {  	_ =	swait.ge [sflag:s23], $0x1  }
0xa3: {  	[sflag:s23] =	ssyncset.done $0x0  }
0xa4: {  	s25 =	simm.s32 $0x1B8E;
	s24 =	sld [smem:$0x3FFE];
	[sflag:s23] =	ssyncadd.s32 $0xFFFFFFFF  }
0xa5: {  	s26 =	simm.s32 $execute0_lowered;
	[smem:$0x3FD2] =	sst s25  }
0xa6: {  	s5 =	sshll.u32 s26, $0x1;
	_ =	strace $0x80000046;
	[dreg:$0x1] =	wrdreg $0xFFFFFFFF  }
0xa7: {  	s28 =	simm.s32 $_size_execute0_lowered;
	s3 =	sadd.s32 s3, s5;
	[dreg:$0x0] =	wrdreg $0x0  }
0xa8: {  	s5 =	sshll.u32 s28, $0x1;
	[dreg:$0x2] =	wrdreg s3  }
0xa9: {  	[dreg:$0x3] =	wrdreg s5  }
0xaa: {  	[dreg:$0x4] =	wrdreg $0xC0  }
0xab: {  	_ =	task [dreg:s7], $0x5FFFF  }
0xac: {  	[dreg:$0x1] =	wrdreg $0xFFFFFFFF  }
0xad: {  	[dreg:$0x0] =	wrdreg $0x60  }
0xae: {  	[dreg:$0x2] =	wrdreg s2  }
0xaf: {  	[dreg:$0x3] =	wrdreg s24  }
0xb0: {  	[dreg:$0x4] =	wrdreg $0x68000  }
0xb1: {  	[dreg:$0x5] =	wrdreg $0x9  }
0xb2: {  	_ =	task.clear_ibuf [dreg:s7], $0x6FFFF;
	_ =	strace $0x90000046  }
0xb3: {  	s29 =	simm.s32 $0x9;
	_ =	strace $0x80000048  }
0xb4: {  	_ =	swait.ge [sflag:s29], $0x1  }
0xb5: {  	[sflag:s29] =	ssyncadd.s32 $0xFFFFFFFF  }
0xb6: {  	_ =	strace $0x90000048  }
0xb7: {  	_ =	sfence  }
0xb8: {  	s30 =	sld [smem:$0x0];
	_ =	sdelay $0x2  }
0xb9: {  	s31 =	sshll.u32 s1, $0xD;
	s1 =	sshrl.u32 s1, $0x2  }
0xba: {  	s3 =	sand.u32 $0x4000, s31;
	s1 =	sadd.s32 s1, s30  }
0xbb: {  	s0 =	sor.u32 s3, s0;
	s1 =	sshll.u32 s1, $0x11  }
0xbc: {  	s0 =	sor.u32 s1, s0  }
0xbd: {  	s0 =	sadd.s32 $0x8F2B, s0  }
0xbe: {  	[sflag:s0] =	ssyncadd.remote.s32 $0x1  }
0xbf: {  	_ =	sfence.sel $0xFFFF  }
0xc0: {  	[dreg:$0x0] =	wrdreg $0xFFFFFFFF;
	(pc) =	sbr.abs _section_cstart, $3  }
0xc1: {  	[dreg:$0x1] =	wrdreg $0xFFFFFFFF  }
0xc2: {  	_ =	task.clear_ibuf [dreg:s7], $0x2FFFF;
	_ =	strace $0x9FFFFFFF  }
0xc3: {  	(tm) =	ssettm $0x7FFFFFFF  }
tec
execute0_lowered:
.L_overlay_start_1:
0x0: {  	(tag) =	ssettag $0x1  }
0x1: {  	s4 =	rddreg [dreg:$0x0]  }
0x2: {  	s5 =	rddreg [dreg:$0x1]  }
0x3: {  	s0 =	srdreg.scid;
	s2 =	rddreg [dreg:$0x2];
	s3 =	simm.s32 $0x0  }
0x4: {  	s18 =	simm.s32 $0x2;
	s19 =	simm.s32 $0x80;
	s20 =	simm.s32 $0x1  }
0x5: {  	s21 =	simm.s32 $0x0;
	s6 =	sand.u32 $0x1, s0;
	s0 =	stileid.u32  }
0x6: {  	[smem:$0x7FF] =	sst s3;
	s14 =	sadd.s32 $0x400, s5;
	s9 =	smul.u32 $0x4F000, s0  }
0x7: {  	s1 =	sshll.u32 s6, $0x4;
	s8 =	ssub.s32 $0x2, s6;
	s11 =	smul.u32 $0x13C00, s0  }
0x8: {  	s16 =	smul.u32 $0x13C000, s6;
	s7 =	sor.u32 s0, s1;
	s1 =	rddreg [dreg:$0x3]  }
0x9: {  	_ =	strace $0x80000047;
	s10 =	sshrl.u32 s8, $0x1;
	s7 =	smul.u32 $0x500, s7  }
0xa: {  	s15 =	ssub.s32 s8, s10;
	s28 =	sshrl.u32 s9, $0x2;
	s29 =	sadd.s32 $0x4000, s11  }
0xb: {  	s12 =	sadd.s32 $0x8000, s11;
	s13 =	sadd.s32 $0xC000, s11;
	s17 =	sadd.s32 $0x10000, s11  }
0xc: {  	s30 =	sadd.s32 s11, s16;
	s5 =	sadd.s32 s28, s2;
	s6 =	sadd.s32 s29, s2  }
0xd: {  	s8 =	sadd.s32 s13, s2;
	s31 =	sadd.s32 s16, s29;
	s9 =	sadd.s32 s17, s2  }
0xe: {  	s10 =	sshrl.u32 s30, $0x3;
	s13 =	sadd.s32 s16, s13;
	s15 =	smax.u32 s15, $0x1  }
0xf: {  	s4 =	sadd.s32 s4, s7;
	s7 =	sadd.s32 s12, s2;
	s11 =	sshrl.u32 s31, $0x3  }
0x10: {  	s10 =	sadd.s32 s14, s10;
	s12 =	sadd.s32 s16, s12;
	s16 =	sadd.s32 s16, s17  }
0x11: {  	s13 =	sshrl.u32 s13, $0x3;
	s17 =	simm.s32 $0x3;
	s11 =	sadd.s32 s14, s11  }
0x12: {  	s12 =	sshrl.u32 s12, $0x3;
	s16 =	sshrl.u32 s16, $0x3;
	s13 =	sadd.s32 s14, s13  }
0x13: {  	v0 =	vimm.f32 $0.0e+00;
	v1 =	vimm.f32 $1.000000000e+00;
	s12 =	sadd.s32 s14, s12;
	s14 =	sadd.s32 s14, s16;
	s16 =	simm.s32 $0x4000  }
.LBB2_1:
0x14: {  	[tilespmem:s16], [sflag:$0x2] =	stream.linear.gather [hbm4b:s4+s3], $0x2800, $0x38;
	[tilespmem:$0x8F80] =	vst v63  }
0x15: {  	s22 =	simm.s32 $0x200;
	s23 =	simm.s32 $0x0  }
.LBB2_2:
0x16: {  	p0 =	sne.s32 s22, $0xFE00;
	[tilespmem:s23+$0x0] =	vst v0;
	s23 =	smov.u32 s22;
	s22 =	sadd.s32 $0x200, s22  }
.Ltmp0:
0x17: {  	(pc) =	sbr.rel @p0 .LBB2_2-.Ltmp0, $2  }
0x18: {  	_ =	sdelay $0x2  }
0x19: {  	s23 =	sshra.s32 s23, $0x2  }
0x1a: {  	[tilespmem:s23+$0x0] =	vst v0;
	s22 =	simm.s32 $0x0  }
0x1b: {  	[spmem:s5] =	stream.linear.scatter [tilespmem:s22], [sflag:$0x3], $0x4000, $0x38;
	[tilespmem:$0x8F80] =	vst v63  }
0x1c: {  	_ =	swait.ge [sflag:s17], $0x4000  }
0x1d: {  	[sflag:s17] =	ssyncset.done $0x0  }
0x1e: {  	[sflag:s17] =	ssyncadd.s32 $0xFFFFC000  }
0x1f: {  	[spmem:s6] =	stream.linear.scatter [tilespmem:s22], [sflag:$0x3], $0x4000, $0x38;
	[tilespmem:$0x8F80] =	vst v63  }
0x20: {  	_ =	swait.ge [sflag:s17], $0x4000  }
0x21: {  	[sflag:s17] =	ssyncset.done $0x0  }
0x22: {  	[sflag:s17] =	ssyncadd.s32 $0xFFFFC000  }
0x23: {  	[spmem:s7] =	stream.linear.scatter [tilespmem:s22], [sflag:$0x3], $0x4000, $0x38;
	[tilespmem:$0x8F80] =	vst v63  }
0x24: {  	_ =	swait.ge [sflag:s17], $0x4000  }
0x25: {  	[sflag:s17] =	ssyncset.done $0x0  }
0x26: {  	[sflag:s17] =	ssyncadd.s32 $0xFFFFC000  }
0x27: {  	[spmem:s8] =	stream.linear.scatter [tilespmem:s22], [sflag:$0x3], $0x4000, $0x38;
	[tilespmem:$0x8F80] =	vst v63  }
0x28: {  	_ =	swait.ge [sflag:s17], $0x4000  }
0x29: {  	[sflag:s17] =	ssyncset.done $0x0  }
0x2a: {  	[sflag:s17] =	ssyncadd.s32 $0xFFFFC000  }
0x2b: {  	[spmem:s9] =	stream.linear.scatter [tilespmem:s22], [sflag:$0x3], $0x3C00, $0x38;
	[tilespmem:$0x8F80] =	vst v63  }
0x2c: {  	_ =	swait.ge [sflag:s17], $0x3C00  }
0x2d: {  	[sflag:s17] =	ssyncset.done $0x0  }
0x2e: {  	s23 =	simm.s32 $0x0;
	s22 =	simm.s32 $0x200;
	[sflag:s17] =	ssyncadd.s32 $0xFFFFC400  }
.LBB2_4:
0x2f: {  	p0 =	sne.s32 s22, $0xFE00;
	[tilespmem:s23+$0x0] =	vst v1;
	s23 =	smov.u32 s22;
	s22 =	sadd.s32 $0x200, s22  }
.Ltmp1:
0x30: {  	(pc) =	sbr.rel @p0 .LBB2_4-.Ltmp1, $2  }
0x31: {  	_ =	sdelay $0x2  }
0x32: {  	s23 =	sshra.s32 s23, $0x2  }
0x33: {  	[tilespmem:s23+$0x0] =	vst v1  }
0x34: {  	_ =	swait.ge [sflag:s18], $0x2800  }
0x35: {  	[sflag:s18] =	ssyncset.done $0x0  }
0x36: {  	[sflag:s18] =	ssyncadd.s32 $0xFFFFD800  }
0x37: {  	s22 =	simm.s32 $0x0;
	[bflag:$0x0] =	sbarrier.arrive $0xFFFF  }
.LBB2_6:
0x38: {  	p0 =	sne.s32 s22, $0x9E00  }
.Ltmp2:
0x39: {  	_ = 	snop;
	(pc) =	sbr.rel @p0 .LBB2_6-.Ltmp2, $4  }
0x3a: {  	_ = 	snop  }
0x3b: {  	s23 =	sshra.s32 s22, $0x2  }
0x3c: {  	s22 =	sadd.s32 $0x200, s22;
	s23 =	sadd.s32 $0x4000, s23  }
0x3d: {  	[spmem:s2] =	stream.indirect.scatter.add.f32 [tilespmem:s3], [sflag:$0x1], $0x10, s23, s19, $0xb8;
	[tilespmem:$0x8F80] =	vst v63  }
0x3e: {  	_ =	swait.ge [sflag:s20], $0x800  }
0x3f: {  	s22 =	simm.s32 $0x4F;
	[sflag:s20] =	ssyncset.done $0x0  }
.LBB2_8:
0x40: {  	p0 =	sne.s32 s22, $0x1;
	s22 =	sadd.s32 $0xFFFFFFFF, s22;
	[sflag:s20] =	ssyncadd.s32 $0xFFFFF800  }
.Ltmp3:
0x41: {  	(pc) =	sbr.rel @p0 .LBB2_8-.Ltmp3, $3  }
0x42: {  	_ =	sdelay $0x1  }
0x43: {  	_ =	swait.ge [sflag:s20], $0x800  }
0x44: {  	[sflag:s20] =	ssyncset.done $0x0  }
0x45: {  	[sflag:s20] =	ssyncadd.s32 $0xFFFFF800;
	s22 =	sshll.u32 s0, $0x6  }
0x46: {  	s23 =	sshrl.u32 s5, $0x3;
	[bflag:$0x0] =	sbarrier.arrive $0xFFFF;
	s22 =	sor.u32 $0x1C03, s22  }
0x47: {  	[hbm:s10], [sflag:s22] =	dma.local [spmem:s23], $0x800  }
0x48: {  	_ =	swait.ge [sflag:s17], $0x800  }
0x49: {  	[sflag:s17] =	ssyncset.done $0x0  }
0x4a: {  	s28 =	sshrl.u32 s6, $0x3;
	[sflag:s17] =	ssyncadd.s32 $0xFFFFF800  }
0x4b: {  	[hbm:s11], [sflag:s22] =	dma.local [spmem:s28], $0x800  }
0x4c: {  	_ =	swait.ge [sflag:s17], $0x800  }
0x4d: {  	[sflag:s17] =	ssyncset.done $0x0  }
0x4e: {  	s29 =	sshrl.u32 s7, $0x3;
	[sflag:s17] =	ssyncadd.s32 $0xFFFFF800  }
0x4f: {  	[hbm:s12], [sflag:s22] =	dma.local [spmem:s29], $0x800  }
0x50: {  	_ =	swait.ge [sflag:s17], $0x800  }
0x51: {  	[sflag:s17] =	ssyncset.done $0x0  }
0x52: {  	s30 =	sshrl.u32 s8, $0x3;
	[sflag:s17] =	ssyncadd.s32 $0xFFFFF800  }
0x53: {  	[hbm:s13], [sflag:s22] =	dma.local [spmem:s30], $0x800  }
0x54: {  	s21 =	sadd.s32 $0x1, s21;
	_ =	swait.ge [sflag:s17], $0x800  }
0x55: {  	p0 =	sne.s32 s21, s15;
	[sflag:s17] =	ssyncset.done $0x0  }
.Ltmp4:
0x56: {  	s31 =	sshrl.u32 s9, $0x3;
	[sflag:s17] =	ssyncadd.s32 $0xFFFFF800;
	(pc) =	sbr.rel @p0 .LBB2_1-.Ltmp4, $4  }
0x57: {  	[hbm:s14], [sflag:s22] =	dma.local [spmem:s31], $0x780  }
0x58: {  	_ =	swait.ge [sflag:s17], $0x780  }
0x59: {  	[sflag:s17] =	ssyncset.done $0x0  }
0x5a: {  	[sflag:s17] =	ssyncadd.s32 $0xFFFFF880  }
0x5b: {  	_ =	sfence.sel $0x180000  }
0x5c: {  	[bflag:$0x0] =	sbarrier.arrive $0xFFFF  }
0x5d: {  	p0 =	sne.s32 s0, $0x0;
	_ =	strace $0x90000047  }
0x5e: {  	s0 =	sadd.s32 @!p0 $0x100000, s1;
	[bflag:$0x2] =	sbarrier.arrive $0xFFFF  }
0x5f: {  	[sflag:s0] =	ssyncadd.tile.s32 @!p0 $0x1;
	_ =	shalt  }
.Lfunc_end2:
_tile_overlayer_lowered:
.L_overlay_start_2:
0x60: {  	(tag) =	ssettag $0x2  }
0x61: {  	s0 =	rddreg [dreg:$0x0];
	s2 =	stileid.u32  }
0x62: {  	s1 =	rddreg [dreg:$0x1];
	p0 =	sne.s32 s2, $0x0  }
0x63: {  	s3 =	rddreg [dreg:$0x2];
	[bflag:$0x3] =	sbarrier.arrive $0xFFFF;
	s2 =	simm.s32 @!p0 $0x1C03  }
0x64: {  	[timem:s3], [sflag:s2] =	dma.local @!p0 [hbm:s0], s1  }
0x65: {  	s0 =	simm.s32 @!p0 $0x3  }
0x66: {  	_ =	swait.ge @!p0 [sflag:s0], s1  }
0x67: {  	s1 =	ssub.s32 @!p0 $0x0, s1;
	[sflag:s0] =	ssyncset.done @!p0 $0x0  }
0x68: {  	[sflag:s0] =	ssyncadd.s32 @!p0 s1  }
0x69: {  	[bflag:$0x3] =	sbarrier.arrive $0xFFFF  }
0x6a: {  	_ =	shalt  }

</sc_bundles>
